<compile_context>
chip_gen: v7x
topology: tpu7x:2x2x1
jax: 0.10.2.dev20260603
libtpu: 0.0.44.dev20260713+nightly
codegen_flags: <defaults>
</compile_context>

<pallas_src>
import functools

import jax
import jax.numpy as jnp
from jax import lax
from jax.experimental import pallas as pl
from jax.experimental.pallas import tpu as pltpu
from jax.experimental.pallas import tpu_sc as plsc

G = 1024
N = 100000
D = 128
DG = 64

CHUNK = 128
NCH = N // CHUNK
TAIL = N - NCH * CHUNK
NTILES = 16
NWORK = 2 * NTILES
NJ_EVEN = (NCH // (2 * NWORK)) * 2
NREM = NCH - NJ_EVEN * NWORK
ROWS_PER_TILE = G // NTILES

RBLK = 4096
NBLK = -(-N // RBLK)
W = 64
BIG = 2**30


def _sc_body(bond_hbm, ids_hbm, out_hbm,
             acc, obuf, fbuf0, fbuf1, ibuf0, ibuf1, tfbuf, tibuf,
             fsem0, fsem1, isem0, isem1):
    c = lax.axis_index("c")
    s = lax.axis_index("s")
    w = c * NTILES + s
    row0 = s * ROWS_PER_TILE
    fbuf = (fbuf0, fbuf1)
    ibuf = (ibuf0, ibuf1)
    fsem = (fsem0, fsem1)
    isem = (isem0, isem1)

    z = jnp.zeros((16,), jnp.float32)

    def zero_row(r, carry):
        for j in range(D // 16):
            obuf[r, pl.ds(j * 16, 16)] = z
        return carry

    lax.fori_loop(0, ROWS_PER_TILE, zero_row, 0)
    pltpu.sync_copy(obuf, acc.at[pl.ds(row0, ROWS_PER_TILE)])
    plsc.subcore_barrier()

    def base_of(j):
        return jnp.minimum((j * NWORK + w) * CHUNK, (NCH - 1) * CHUNK)

    def start(slot, j):
        b = base_of(j)
        pltpu.async_copy(bond_hbm.at[pl.ds(b, CHUNK)], fbuf[slot], fsem[slot])
        pltpu.async_copy(ids_hbm.at[pl.ds(b, CHUNK)], ibuf[slot], isem[slot])

    def wait(slot, j):
        b = base_of(j)
        pltpu.make_async_copy(bond_hbm.at[pl.ds(b, CHUNK)], fbuf[slot], fsem[slot]).wait()
        pltpu.make_async_copy(ids_hbm.at[pl.ds(b, CHUNK)], ibuf[slot], isem[slot]).wait()

    def scatter(slot):
        pltpu.sync_copy(fbuf[slot], acc.at[ibuf[slot]], add=True)

    start(0, 0)

    def body(i, carry):
        start(1, 2 * i + 1)
        wait(0, 2 * i)
        scatter(0)
        start(0, 2 * i + 2)
        wait(1, 2 * i + 1)
        scatter(1)
        return carry

    lax.fori_loop(0, NJ_EVEN // 2, body, 0)
    wait(0, NJ_EVEN)

    @pl.when(w < NREM)
    def _odd():
        scatter(0)

    @pl.when(w == NWORK - 1)
    def _tail():
        pltpu.sync_copy(bond_hbm.at[pl.ds(NCH * CHUNK, TAIL)], tfbuf)
        pltpu.sync_copy(ids_hbm.at[pl.ds(NCH * CHUNK, TAIL)], tibuf)
        pltpu.sync_copy(tfbuf, acc.at[tibuf], add=True)

    plsc.subcore_barrier()

    pltpu.sync_copy(acc.at[pl.ds(row0, ROWS_PER_TILE)], obuf)
    pltpu.sync_copy(obuf, out_hbm.at[c, pl.ds(row0, ROWS_PER_TILE), :])


def _sc_bond_pool(bond_feats, bond_segment_ids):
    mesh = plsc.VectorSubcoreMesh(core_axis_name="c", subcore_axis_name="s")
    run = functools.partial(
        pl.kernel,
        out_type=jax.ShapeDtypeStruct((2, G, D), jnp.float32),
        mesh=mesh,
        scratch_types=[
            pltpu.VMEM_SHARED((G, D), jnp.float32),
            pltpu.VMEM((ROWS_PER_TILE, D), jnp.float32),
            pltpu.VMEM((CHUNK, D), jnp.float32),
            pltpu.VMEM((CHUNK, D), jnp.float32),
            pltpu.VMEM((CHUNK,), jnp.int32),
            pltpu.VMEM((CHUNK,), jnp.int32),
            pltpu.VMEM((TAIL, D), jnp.float32),
            pltpu.VMEM((TAIL,), jnp.int32),
            pltpu.SemaphoreType.DMA,
            pltpu.SemaphoreType.DMA,
            pltpu.SemaphoreType.DMA,
            pltpu.SemaphoreType.DMA,
        ],
    )(_sc_body)
    partials = run(bond_feats, bond_segment_ids)
    return partials[0] + partials[1]


def _tc_body(feats_ref, ids_ref, out_ref, acc_ref):
    i = pl.program_id(0)

    @pl.when(i == 0)
    def _init():
        acc_ref[...] = jnp.zeros_like(acc_ref)

    ids = ids_ref[0]
    feats = feats_ref[...]

    w0 = jnp.min(ids) // W

    def cond(w):
        return w * W < G

    def body(w):
        base = w * W
        onehot = jnp.where(
            (ids - base) == lax.broadcasted_iota(jnp.int32, (W, RBLK), 0),
            1.0, 0.0)
        contrib = lax.dot_general(onehot, feats, (((1,), (0,)), ((), ())),
                                  preferred_element_type=jnp.float32)
        acc_ref[pl.ds(base, W), :] += contrib
        above = jnp.where(ids >= base + W, ids, BIG)
        return jnp.min(above) // W

    lax.while_loop(cond, body, w0)

    @pl.when(i == NBLK - 1)
    def _emit():
        out_ref[...] = acc_ref[pl.ds(0, G), :]


def _tc_atom_pool(atom_feats, atom_segment_ids):
    ids_padded = jnp.pad(atom_segment_ids, (0, NBLK * RBLK - N),
                         constant_values=BIG).reshape(NBLK, 1, RBLK)
    return pl.pallas_call(
        _tc_body,
        grid=(NBLK,),
        in_specs=[
            pl.BlockSpec((RBLK, D), lambda i: (i, 0)),
            pl.BlockSpec((1, 1, RBLK), lambda i: (i, 0, 0)),
        ],
        out_specs=pl.BlockSpec((G, D), lambda i: (0, 0)),
        out_shape=jax.ShapeDtypeStruct((G, D), jnp.float32),
        scratch_shapes=[pltpu.VMEM((G + W, D), jnp.float32)],
    )(atom_feats, ids_padded)


@jax.jit
def kernel(atom_feats, bond_feats, global_feats, atom_segment_ids, bond_segment_ids):
    bond_pool = _sc_bond_pool(bond_feats, bond_segment_ids)
    atom_pool = _tc_atom_pool(atom_feats, atom_segment_ids)
    return jnp.concatenate([atom_pool, bond_pool, global_feats], axis=-1)

# --- scband reference (transcript-rebuilt; emitter-appended) ---
"""Pipeline reference for scband-sum-pooling-then-cat-17875653886193 (READ-ONLY COPY).

The authoritative reference and input builder live on the scoring server;
editing this copy changes nothing except your own understanding.
"""

import jax, jax.numpy as jnp
import numpy as np

NUM_GRAPHS = 1024
N_ATOM = 100000
N_BOND = 100000
D_ATOM = 128
D_BOND = 128
D_GLOBAL = 64


def setup_inputs(seed: int = 0) -> dict:
    key = jax.random.key(seed)
    k1, k2, k3, k4, k5 = jax.random.split(key, 5)
    atom_feats = jax.random.normal(k1, (N_ATOM, D_ATOM), dtype=jnp.float32)
    bond_feats = jax.random.normal(k2, (N_BOND, D_BOND), dtype=jnp.float32)
    global_feats = jax.random.normal(k3, (NUM_GRAPHS, D_GLOBAL), dtype=jnp.float32)
    atom_segment_ids = jnp.sort(jax.random.randint(k4, (N_ATOM,), 0, NUM_GRAPHS, dtype=jnp.int32))
    bond_segment_ids = jnp.sort(jax.random.randint(k5, (N_BOND,), 0, NUM_GRAPHS, dtype=jnp.int32))
    return {
        "atom_feats": atom_feats,
        "bond_feats": bond_feats,
        "global_feats": global_feats,
        "atom_segment_ids": atom_segment_ids,
        "bond_segment_ids": bond_segment_ids,
    }


def reference(atom_feats, bond_feats, global_feats, atom_segment_ids, bond_segment_ids):
    # dgl.readout_nodes(graph, 'h', ntype=ntype, op='sum') == per-graph segment sum
    atom_pool = jax.ops.segment_sum(atom_feats, atom_segment_ids, num_segments=NUM_GRAPHS)
    bond_pool = jax.ops.segment_sum(bond_feats, bond_segment_ids, num_segments=NUM_GRAPHS)
    # ntypes_direct_cat = ['global'] -> concatenated directly without pooling
    return jnp.concatenate([atom_pool, bond_pool, global_feats], axis=-1)

if __name__ == "__main__":
    import jax
    _d = setup_inputs()
    print(jax.jit(kernel)(*tuple(_d.values())))

</pallas_src>

<mosaic_0001>
#map = affine_map<(d0, d1) -> (0, 0)>
#map1 = affine_map<(d0, d1) -> (0)>
#map2 = affine_map<(d0, d1) -> (0, 0, 0)>
module attributes {stable_mosaic.version = 14 : i64} {
  func.func @_sc_body(%arg0: i32, %arg1: i32, %arg2: memref<100000x128xf32, #tpu.memory_space<hbm>>, %arg3: memref<100000xi32, #tpu.memory_space<hbm>>, %arg4: memref<2x1024x128xf32, #tpu.memory_space<hbm>>, %arg5: memref<1024x128xf32, #tpu.memory_space<vmem_shared>>, %arg6: memref<64x128xf32, #tpu.memory_space<vmem>>, %arg7: memref<128x128xf32, #tpu.memory_space<vmem>>, %arg8: memref<128x128xf32, #tpu.memory_space<vmem>>, %arg9: memref<128xi32, #tpu.memory_space<vmem>>, %arg10: memref<128xi32, #tpu.memory_space<vmem>>, %arg11: memref<32x128xf32, #tpu.memory_space<vmem>>, %arg12: memref<32xi32, #tpu.memory_space<vmem>>, %arg13: memref<!tpu.dma_semaphore, #tpu.memory_space<semaphore_mem>>, %arg14: memref<!tpu.dma_semaphore, #tpu.memory_space<semaphore_mem>>, %arg15: memref<!tpu.dma_semaphore, #tpu.memory_space<semaphore_mem>>, %arg16: memref<!tpu.dma_semaphore, #tpu.memory_space<semaphore_mem>>) attributes {dimension_semantics = [#tpu.dimension_semantics<core_parallel>, #tpu.dimension_semantics<subcore_parallel>], iteration_bounds = array<i64: 2, 16>, scalar_prefetch = 0 : i64, scratch_operands = 12 : i64, tpu.core_type = #tpu.core_type<sc_vector_subcore>, window_params = [{transform_indices = #map}, {transform_indices = #map1}, {transform_indices = #map2}]} {
    %mul3A = arith.constant 16 : i32
    %mul3A_0 = arith.muli %arg0, %mul3A : i32
    %add3A = arith.addi %mul3A_0, %arg1 : i32
    %mul3A_1 = arith.constant 64 : i32
    %mul3A_2 = arith.muli %arg1, %mul3A_1 : i32
    %broadcast_in_dim3A = arith.constant 0.000000e+00 : f32
    %broadcast_in_dim3A_3 = vector.broadcast %broadcast_in_dim3A : f32 to vector<16xf32>
    %scan3A = arith.constant 0 : i32
    %scan3A_4 = arith.constant 0 : i32
    %scan3A_5 = arith.constant 64 : i32
    %scan3A_6 = arith.addi %scan3A_4, %scan3A_5 : i32
    %scan3A_7 = arith.constant 1 : i32
    scf.for %scan3A_43 = %scan3A_4 to %scan3A_6 step %scan3A_7  : i32 {
      %swap3A = arith.index_cast %scan3A_43 : i32 to index
      %swap3A_44 = arith.constant 0 : index
      %swap3A_45 = tpu.vector_load %arg6[%swap3A, %swap3A_44] {strides = array<i32>} : memref<64x128xf32, #tpu.memory_space<vmem>>, vector<1x16xf32>,
      %swap3A_46 = vector.shape_cast %swap3A_45 : vector<1x16xf32> to vector<16xf32>
      %swap3A_47 = vector.shape_cast %broadcast_in_dim3A_3 : vector<16xf32> to vector<1x16xf32>
      tpu.vector_store %arg6[%swap3A, %swap3A_44], %swap3A_47 {strides = array<i32>} : memref<64x128xf32, #tpu.memory_space<vmem>>, vector<1x16xf32>,
      %swap3A_48 = arith.index_cast %scan3A_43 : i32 to index
      %swap3A_49 = arith.constant 16 : index
      %swap3A_50 = tpu.vector_load %arg6[%swap3A_48, %swap3A_49] {strides = array<i32>} : memref<64x128xf32, #tpu.memory_space<vmem>>, vector<1x16xf32>,
      %swap3A_51 = vector.shape_cast %swap3A_50 : vector<1x16xf32> to vector<16xf32>
      %swap3A_52 = vector.shape_cast %broadcast_in_dim3A_3 : vector<16xf32> to vector<1x16xf32>
      tpu.vector_store %arg6[%swap3A_48, %swap3A_49], %swap3A_52 {strides = array<i32>} : memref<64x128xf32, #tpu.memory_space<vmem>>, vector<1x16xf32>,
      %swap3A_53 = arith.index_cast %scan3A_43 : i32 to index
      %swap3A_54 = arith.constant 32 : index
      %swap3A_55 = tpu.vector_load %arg6[%swap3A_53, %swap3A_54] {strides = array<i32>} : memref<64x128xf32, #tpu.memory_space<vmem>>, vector<1x16xf32>,
      %swap3A_56 = vector.shape_cast %swap3A_55 : vector<1x16xf32> to vector<16xf32>
      %swap3A_57 = vector.shape_cast %broadcast_in_dim3A_3 : vector<16xf32> to vector<1x16xf32>
      tpu.vector_store %arg6[%swap3A_53, %swap3A_54], %swap3A_57 {strides = array<i32>} : memref<64x128xf32, #tpu.memory_space<vmem>>, vector<1x16xf32>,
      %swap3A_58 = arith.index_cast %scan3A_43 : i32 to index
      %swap3A_59 = arith.constant 48 : index
      %swap3A_60 = tpu.vector_load %arg6[%swap3A_58, %swap3A_59] {strides = array<i32>} : memref<64x128xf32, #tpu.memory_space<vmem>>, vector<1x16xf32>,
      %swap3A_61 = vector.shape_cast %swap3A_60 : vector<1x16xf32> to vector<16xf32>
      %swap3A_62 = vector.shape_cast %broadcast_in_dim3A_3 : vector<16xf32> to vector<1x16xf32>
      tpu.vector_store %arg6[%swap3A_58, %swap3A_59], %swap3A_62 {strides = array<i32>} : memref<64x128xf32, #tpu.memory_space<vmem>>, vector<1x16xf32>,
      %swap3A_63 = arith.index_cast %scan3A_43 : i32 to index
      %swap3A_64 = arith.constant 64 : index
      %swap3A_65 = tpu.vector_load %arg6[%swap3A_63, %swap3A_64] {strides = array<i32>} : memref<64x128xf32, #tpu.memory_space<vmem>>, vector<1x16xf32>,
      %swap3A_66 = vector.shape_cast %swap3A_65 : vector<1x16xf32> to vector<16xf32>
      %swap3A_67 = vector.shape_cast %broadcast_in_dim3A_3 : vector<16xf32> to vector<1x16xf32>
      tpu.vector_store %arg6[%swap3A_63, %swap3A_64], %swap3A_67 {strides = array<i32>} : memref<64x128xf32, #tpu.memory_space<vmem>>, vector<1x16xf32>,
      %swap3A_68 = arith.index_cast %scan3A_43 : i32 to index
      %swap3A_69 = arith.constant 80 : index
      %swap3A_70 = tpu.vector_load %arg6[%swap3A_68, %swap3A_69] {strides = array<i32>} : memref<64x128xf32, #tpu.memory_space<vmem>>, vector<1x16xf32>,
      %swap3A_71 = vector.shape_cast %swap3A_70 : vector<1x16xf32> to vector<16xf32>
      %swap3A_72 = vector.shape_cast %broadcast_in_dim3A_3 : vector<16xf32> to vector<1x16xf32>
      tpu.vector_store %arg6[%swap3A_68, %swap3A_69], %swap3A_72 {strides = array<i32>} : memref<64x128xf32, #tpu.memory_space<vmem>>, vector<1x16xf32>,
      %swap3A_73 = arith.index_cast %scan3A_43 : i32 to index
      %swap3A_74 = arith.constant 96 : index
      %swap3A_75 = tpu.vector_load %arg6[%swap3A_73, %swap3A_74] {strides = array<i32>} : memref<64x128xf32, #tpu.memory_space<vmem>>, vector<1x16xf32>,
      %swap3A_76 = vector.shape_cast %swap3A_75 : vector<1x16xf32> to vector<16xf32>
      %swap3A_77 = vector.shape_cast %broadcast_in_dim3A_3 : vector<16xf32> to vector<1x16xf32>
      tpu.vector_store %arg6[%swap3A_73, %swap3A_74], %swap3A_77 {strides = array<i32>} : memref<64x128xf32, #tpu.memory_space<vmem>>, vector<1x16xf32>,
      %swap3A_78 = arith.index_cast %scan3A_43 : i32 to index
      %swap3A_79 = arith.constant 112 : index
      %swap3A_80 = tpu.vector_load %arg6[%swap3A_78, %swap3A_79] {strides = array<i32>} : memref<64x128xf32, #tpu.memory_space<vmem>>, vector<1x16xf32>,
      %swap3A_81 = vector.shape_cast %swap3A_80 : vector<1x16xf32> to vector<16xf32>
      %swap3A_82 = vector.shape_cast %broadcast_in_dim3A_3 : vector<16xf32> to vector<1x16xf32>
      tpu.vector_store %arg6[%swap3A_78, %swap3A_79], %swap3A_82 {strides = array<i32>} : memref<64x128xf32, #tpu.memory_space<vmem>>, vector<1x16xf32>,
    }
    %scan3A_8 = arith.constant 64 : i32
    "tpu.region"() ({
      %run_scoped3A = tpu.sem_alloc : memref<!tpu.dma_semaphore, #tpu.memory_space<semaphore_mem>>
      %dma_start3A_43 = arith.constant 0 : i32
      %dma_start3A_44 = tpu.memref_slice %arg5[%mul3A_2, %dma_start3A_43] : memref<1024x128xf32, #tpu.memory_space<vmem_shared>> -> memref<64x128xf32, #tpu.memory_space<vmem_shared>>
      %dma_start3A_45 = arith.constant 0 : i32
      %dma_start3A_46 = tpu.memref_slice %arg5[%mul3A_2, %dma_start3A_45] : memref<1024x128xf32, #tpu.memory_space<vmem_shared>> -> memref<64x128xf32, #tpu.memory_space<vmem_shared>>
      tpu.enqueue_dma source(%arg6 : memref<64x128xf32, #tpu.memory_space<vmem>>) target(%dma_start3A_46 : memref<64x128xf32, #tpu.memory_space<vmem_shared>>) target_semaphore(%run_scoped3A : memref<!tpu.dma_semaphore, #tpu.memory_space<semaphore_mem>>)
      %dma_wait3A_47 = arith.constant 0 : i32
      %dma_wait3A_48 = tpu.memref_slice %arg5[%mul3A_2, %dma_wait3A_47] : memref<1024x128xf32, #tpu.memory_space<vmem_shared>> -> memref<64x128xf32, #tpu.memory_space<vmem_shared>>
      %dma_wait3A_49 = arith.constant 0 : i32
      %dma_wait3A_50 = tpu.memref_slice %arg5[%mul3A_2, %dma_wait3A_49] : memref<1024x128xf32, #tpu.memory_space<vmem_shared>> -> memref<64x128xf32, #tpu.memory_space<vmem_shared>>
      tpu.wait_dma2 semaphore(%run_scoped3A : memref<!tpu.dma_semaphore, #tpu.memory_space<semaphore_mem>>) src(%arg6 : memref<64x128xf32, #tpu.memory_space<vmem>>) dst(%dma_wait3A_50 : memref<64x128xf32, #tpu.memory_space<vmem_shared>>)
      tpu.yield
    }) : () -> ()
    %barrier3A = arith.constant 0 : index
    tpu.barrier barrier_id(%barrier3A)
    %add3A_9 = arith.constant 0 : i32
    %add3A_10 = arith.addi %add3A_9, %add3A : i32
    %mul3A_11 = arith.constant 128 : i32
    %mul3A_12 = arith.muli %add3A_10, %mul3A_11 : i32
    %min3A = arith.constant 99840 : i32
    %min3A_13 = arith.minsi %mul3A_12, %min3A : i32
    %dma_start3A = arith.constant 0 : i32
    %dma_start3A_14 = tpu.memref_slice %arg2[%min3A_13, %dma_start3A] : memref<100000x128xf32, #tpu.memory_space<hbm>> -> memref<128x128xf32, #tpu.memory_space<hbm>>
    %dma_start3A_15 = arith.constant 0 : i32
    %dma_start3A_16 = tpu.memref_slice %arg2[%min3A_13, %dma_start3A_15] : memref<100000x128xf32, #tpu.memory_space<hbm>> -> memref<128x128xf32, #tpu.memory_space<hbm>>
    tpu.enqueue_dma source(%dma_start3A_16 : memref<128x128xf32, #tpu.memory_space<hbm>>) target(%arg7 : memref<128x128xf32, #tpu.memory_space<vmem>>) target_semaphore(%arg13 : memref<!tpu.dma_semaphore, #tpu.memory_space<semaphore_mem>>)
    %dma_start3A_17 = tpu.memref_slice %arg3[%min3A_13] : memref<100000xi32, #tpu.memory_space<hbm>> -> memref<128xi32, #tpu.memory_space<hbm>>
    %dma_start3A_18 = tpu.memref_slice %arg3[%min3A_13] : memref<100000xi32, #tpu.memory_space<hbm>> -> memref<128xi32, #tpu.memory_space<hbm>>
    tpu.enqueue_dma source(%dma_start3A_18 : memref<128xi32, #tpu.memory_space<hbm>>) target(%arg9 : memref<128xi32, #tpu.memory_space<vmem>>) target_semaphore(%arg15 : memref<!tpu.dma_semaphore, #tpu.memory_space<semaphore_mem>>)
    %scan3A_19 = arith.constant 0 : i32
    %scan3A_20 = arith.constant 0 : i32
    %scan3A_21 = arith.constant 12 : i32
    %scan3A_22 = arith.addi %scan3A_20, %scan3A_21 : i32
    %scan3A_23 = arith.constant 1 : i32
    scf.for %scan3A_43 = %scan3A_20 to %scan3A_22 step %scan3A_23  : i32 {
      %mul3A_44 = arith.constant 2 : i32
      %mul3A_45 = arith.muli %mul3A_44, %scan3A_43 : i32
      %add3A_46 = arith.constant 1 : i32
      %add3A_47 = arith.addi %mul3A_45, %add3A_46 : i32
      %mul3A_48 = arith.constant 32 : i32
      %mul3A_49 = arith.muli %add3A_47, %mul3A_48 : i32
      %add3A_50 = arith.addi %mul3A_49, %add3A : i32
      %mul3A_51 = arith.constant 128 : i32
      %mul3A_52 = arith.muli %add3A_50, %mul3A_51 : i32
      %min3A_53 = arith.constant 99840 : i32
      %min3A_54 = arith.minsi %mul3A_52, %min3A_53 : i32
      %dma_start3A_55 = arith.constant 0 : i32
      %dma_start3A_56 = tpu.memref_slice %arg2[%min3A_54, %dma_start3A_55] : memref<100000x128xf32, #tpu.memory_space<hbm>> -> memref<128x128xf32, #tpu.memory_space<hbm>>
      %dma_start3A_57 = arith.constant 0 : i32
      %dma_start3A_58 = tpu.memref_slice %arg2[%min3A_54, %dma_start3A_57] : memref<100000x128xf32, #tpu.memory_space<hbm>> -> memref<128x128xf32, #tpu.memory_space<hbm>>
      tpu.enqueue_dma source(%dma_start3A_58 : memref<128x128xf32, #tpu.memory_space<hbm>>) target(%arg8 : memref<128x128xf32, #tpu.memory_space<vmem>>) target_semaphore(%arg14 : memref<!tpu.dma_semaphore, #tpu.memory_space<semaphore_mem>>)
      %dma_start3A_59 = tpu.memref_slice %arg3[%min3A_54] : memref<100000xi32, #tpu.memory_space<hbm>> -> memref<128xi32, #tpu.memory_space<hbm>>
      %dma_start3A_60 = tpu.memref_slice %arg3[%min3A_54] : memref<100000xi32, #tpu.memory_space<hbm>> -> memref<128xi32, #tpu.memory_space<hbm>>
      tpu.enqueue_dma source(%dma_start3A_60 : memref<128xi32, #tpu.memory_space<hbm>>) target(%arg10 : memref<128xi32, #tpu.memory_space<vmem>>) target_semaphore(%arg16 : memref<!tpu.dma_semaphore, #tpu.memory_space<semaphore_mem>>)
      %mul3A_61 = arith.constant 2 : i32
      %mul3A_62 = arith.muli %mul3A_61, %scan3A_43 : i32
      %mul3A_63 = arith.constant 32 : i32
      %mul3A_64 = arith.muli %mul3A_62, %mul3A_63 : i32
      %add3A_65 = arith.addi %mul3A_64, %add3A : i32
      %mul3A_66 = arith.constant 128 : i32
      %mul3A_67 = arith.muli %add3A_65, %mul3A_66 : i32
      %min3A_68 = arith.constant 99840 : i32
      %min3A_69 = arith.minsi %mul3A_67, %min3A_68 : i32
      %dma_wait3A_70 = arith.constant 0 : i32
      %dma_wait3A_71 = tpu.memref_slice %arg2[%min3A_69, %dma_wait3A_70] : memref<100000x128xf32, #tpu.memory_space<hbm>> -> memref<128x128xf32, #tpu.memory_space<hbm>>
      %dma_wait3A_72 = arith.constant 0 : i32
      %dma_wait3A_73 = tpu.memref_slice %arg2[%min3A_69, %dma_wait3A_72] : memref<100000x128xf32, #tpu.memory_space<hbm>> -> memref<128x128xf32, #tpu.memory_space<hbm>>
      tpu.wait_dma2 semaphore(%arg13 : memref<!tpu.dma_semaphore, #tpu.memory_space<semaphore_mem>>) src(%dma_wait3A_73 : memref<128x128xf32, #tpu.memory_space<hbm>>) dst(%arg7 : memref<128x128xf32, #tpu.memory_space<vmem>>)
      %dma_wait3A_74 = tpu.memref_slice %arg3[%min3A_69] : memref<100000xi32, #tpu.memory_space<hbm>> -> memref<128xi32, #tpu.memory_space<hbm>>
      %dma_wait3A_75 = tpu.memref_slice %arg3[%min3A_69] : memref<100000xi32, #tpu.memory_space<hbm>> -> memref<128xi32, #tpu.memory_space<hbm>>
      tpu.wait_dma2 semaphore(%arg15 : memref<!tpu.dma_semaphore, #tpu.memory_space<semaphore_mem>>) src(%dma_wait3A_75 : memref<128xi32, #tpu.memory_space<hbm>>) dst(%arg9 : memref<128xi32, #tpu.memory_space<vmem>>)
      "tpu.region"() ({
        %run_scoped3A = tpu.sem_alloc : memref<!tpu.dma_semaphore, #tpu.memory_space<semaphore_mem>>
        %dma_start3A_110 = arith.constant 0 : i32
        %dma_start3A_111 = arith.constant 0 : i32
        %dma_start3A_112 = tpu.memref_slice %arg5[%dma_start3A_110, %dma_start3A_111] : memref<1024x128xf32, #tpu.memory_space<vmem_shared>> -> memref<1024x128xf32, #tpu.memory_space<vmem_shared>>
        tpu.enqueue_indirect_dma source(%arg7 : memref<128x128xf32, #tpu.memory_space<vmem>>) target(%dma_start3A_112 : memref<1024x128xf32, #tpu.memory_space<vmem_shared>>) offsets(%arg9 : memref<128xi32, #tpu.memory_space<vmem>>) semaphore(%run_scoped3A : memref<!tpu.dma_semaphore, #tpu.memory_space<semaphore_mem>>) {add = true}
        %dma_wait3A_113 = arith.constant 0 : i32
        %dma_wait3A_114 = arith.constant 0 : i32
        %dma_wait3A_115 = tpu.memref_slice %arg5[%dma_wait3A_113, %dma_wait3A_114] : memref<1024x128xf32, #tpu.memory_space<vmem_shared>> -> memref<1024x128xf32, #tpu.memory_space<vmem_shared>>
        tpu.wait_indirect_dma semaphore(%run_scoped3A : memref<!tpu.dma_semaphore, #tpu.memory_space<semaphore_mem>>) src(%arg7 : memref<128x128xf32, #tpu.memory_space<vmem>>) dst(%dma_wait3A_115 : memref<1024x128xf32, #tpu.memory_space<vmem_shared>>)
        tpu.yield
      }) : () -> ()
      %mul3A_76 = arith.constant 2 : i32
      %mul3A_77 = arith.muli %mul3A_76, %scan3A_43 : i32
      %add3A_78 = arith.constant 2 : i32
      %add3A_79 = arith.addi %mul3A_77, %add3A_78 : i32
      %mul3A_80 = arith.constant 32 : i32
      %mul3A_81 = arith.muli %add3A_79, %mul3A_80 : i32
      %add3A_82 = arith.addi %mul3A_81, %add3A : i32
      %mul3A_83 = arith.constant 128 : i32
      %mul3A_84 = arith.muli %add3A_82, %mul3A_83 : i32
      %min3A_85 = arith.constant 99840 : i32
      %min3A_86 = arith.minsi %mul3A_84, %min3A_85 : i32
      %dma_start3A_87 = arith.constant 0 : i32
      %dma_start3A_88 = tpu.memref_slice %arg2[%min3A_86, %dma_start3A_87] : memref<100000x128xf32, #tpu.memory_space<hbm>> -> memref<128x128xf32, #tpu.memory_space<hbm>>
      %dma_start3A_89 = arith.constant 0 : i32
      %dma_start3A_90 = tpu.memref_slice %arg2[%min3A_86, %dma_start3A_89] : memref<100000x128xf32, #tpu.memory_space<hbm>> -> memref<128x128xf32, #tpu.memory_space<hbm>>
      tpu.enqueue_dma source(%dma_start3A_90 : memref<128x128xf32, #tpu.memory_space<hbm>>) target(%arg7 : memref<128x128xf32, #tpu.memory_space<vmem>>) target_semaphore(%arg13 : memref<!tpu.dma_semaphore, #tpu.memory_space<semaphore_mem>>)
      %dma_start3A_91 = tpu.memref_slice %arg3[%min3A_86] : memref<100000xi32, #tpu.memory_space<hbm>> -> memref<128xi32, #tpu.memory_space<hbm>>
      %dma_start3A_92 = tpu.memref_slice %arg3[%min3A_86] : memref<100000xi32, #tpu.memory_space<hbm>> -> memref<128xi32, #tpu.memory_space<hbm>>
      tpu.enqueue_dma source(%dma_start3A_92 : memref<128xi32, #tpu.memory_space<hbm>>) target(%arg9 : memref<128xi32, #tpu.memory_space<vmem>>) target_semaphore(%arg15 : memref<!tpu.dma_semaphore, #tpu.memory_space<semaphore_mem>>)
      %mul3A_93 = arith.constant 2 : i32
      %mul3A_94 = arith.muli %mul3A_93, %scan3A_43 : i32
      %add3A_95 = arith.constant 1 : i32
      %add3A_96 = arith.addi %mul3A_94, %add3A_95 : i32
      %mul3A_97 = arith.constant 32 : i32
      %mul3A_98 = arith.muli %add3A_96, %mul3A_97 : i32
      %add3A_99 = arith.addi %mul3A_98, %add3A : i32
      %mul3A_100 = arith.constant 128 : i32
      %mul3A_101 = arith.muli %add3A_99, %mul3A_100 : i32
      %min3A_102 = arith.constant 99840 : i32
      %min3A_103 = arith.minsi %mul3A_101, %min3A_102 : i32
      %dma_wait3A_104 = arith.constant 0 : i32
      %dma_wait3A_105 = tpu.memref_slice %arg2[%min3A_103, %dma_wait3A_104] : memref<100000x128xf32, #tpu.memory_space<hbm>> -> memref<128x128xf32, #tpu.memory_space<hbm>>
      %dma_wait3A_106 = arith.constant 0 : i32
      %dma_wait3A_107 = tpu.memref_slice %arg2[%min3A_103, %dma_wait3A_106] : memref<100000x128xf32, #tpu.memory_space<hbm>> -> memref<128x128xf32, #tpu.memory_space<hbm>>
      tpu.wait_dma2 semaphore(%arg14 : memref<!tpu.dma_semaphore, #tpu.memory_space<semaphore_mem>>) src(%dma_wait3A_107 : memref<128x128xf32, #tpu.memory_space<hbm>>) dst(%arg8 : memref<128x128xf32, #tpu.memory_space<vmem>>)
      %dma_wait3A_108 = tpu.memref_slice %arg3[%min3A_103] : memref<100000xi32, #tpu.memory_space<hbm>> -> memref<128xi32, #tpu.memory_space<hbm>>
      %dma_wait3A_109 = tpu.memref_slice %arg3[%min3A_103] : memref<100000xi32, #tpu.memory_space<hbm>> -> memref<128xi32, #tpu.memory_space<hbm>>
      tpu.wait_dma2 semaphore(%arg16 : memref<!tpu.dma_semaphore, #tpu.memory_space<semaphore_mem>>) src(%dma_wait3A_109 : memref<128xi32, #tpu.memory_space<hbm>>) dst(%arg10 : memref<128xi32, #tpu.memory_space<vmem>>)
      "tpu.region"() ({
        %run_scoped3A = tpu.sem_alloc : memref<!tpu.dma_semaphore, #tpu.memory_space<semaphore_mem>>
        %dma_start3A_110 = arith.constant 0 : i32
        %dma_start3A_111 = arith.constant 0 : i32
        %dma_start3A_112 = tpu.memref_slice %arg5[%dma_start3A_110, %dma_start3A_111] : memref<1024x128xf32, #tpu.memory_space<vmem_shared>> -> memref<1024x128xf32, #tpu.memory_space<vmem_shared>>
        tpu.enqueue_indirect_dma source(%arg8 : memref<128x128xf32, #tpu.memory_space<vmem>>) target(%dma_start3A_112 : memref<1024x128xf32, #tpu.memory_space<vmem_shared>>) offsets(%arg10 : memref<128xi32, #tpu.memory_space<vmem>>) semaphore(%run_scoped3A : memref<!tpu.dma_semaphore, #tpu.memory_space<semaphore_mem>>) {add = true}
        %dma_wait3A_113 = arith.constant 0 : i32
        %dma_wait3A_114 = arith.constant 0 : i32
        %dma_wait3A_115 = tpu.memref_slice %arg5[%dma_wait3A_113, %dma_wait3A_114] : memref<1024x128xf32, #tpu.memory_space<vmem_shared>> -> memref<1024x128xf32, #tpu.memory_space<vmem_shared>>
        tpu.wait_indirect_dma semaphore(%run_scoped3A : memref<!tpu.dma_semaphore, #tpu.memory_space<semaphore_mem>>) src(%arg8 : memref<128x128xf32, #tpu.memory_space<vmem>>) dst(%dma_wait3A_115 : memref<1024x128xf32, #tpu.memory_space<vmem_shared>>)
        tpu.yield
      }) : () -> ()
    }
    %scan3A_24 = arith.constant 12 : i32
    %add3A_25 = arith.constant 768 : i32
    %add3A_26 = arith.addi %add3A_25, %add3A : i32
    %mul3A_27 = arith.constant 128 : i32
    %mul3A_28 = arith.muli %add3A_26, %mul3A_27 : i32
    %min3A_29 = arith.constant 99840 : i32
    %min3A_30 = arith.minsi %mul3A_28, %min3A_29 : i32
    %dma_wait3A = arith.constant 0 : i32
    %dma_wait3A_31 = tpu.memref_slice %arg2[%min3A_30, %dma_wait3A] : memref<100000x128xf32, #tpu.memory_space<hbm>> -> memref<128x128xf32, #tpu.memory_space<hbm>>
    %dma_wait3A_32 = arith.constant 0 : i32
    %dma_wait3A_33 = tpu.memref_slice %arg2[%min3A_30, %dma_wait3A_32] : memref<100000x128xf32, #tpu.memory_space<hbm>> -> memref<128x128xf32, #tpu.memory_space<hbm>>
    tpu.wait_dma2 semaphore(%arg13 : memref<!tpu.dma_semaphore, #tpu.memory_space<semaphore_mem>>) src(%dma_wait3A_33 : memref<128x128xf32, #tpu.memory_space<hbm>>) dst(%arg7 : memref<128x128xf32, #tpu.memory_space<vmem>>)
    %dma_wait3A_34 = tpu.memref_slice %arg3[%min3A_30] : memref<100000xi32, #tpu.memory_space<hbm>> -> memref<128xi32, #tpu.memory_space<hbm>>
    %dma_wait3A_35 = tpu.memref_slice %arg3[%min3A_30] : memref<100000xi32, #tpu.memory_space<hbm>> -> memref<128xi32, #tpu.memory_space<hbm>>
    tpu.wait_dma2 semaphore(%arg15 : memref<!tpu.dma_semaphore, #tpu.memory_space<semaphore_mem>>) src(%dma_wait3A_35 : memref<128xi32, #tpu.memory_space<hbm>>) dst(%arg9 : memref<128xi32, #tpu.memory_space<vmem>>)
    %lt3A = arith.constant 13 : i32
    %lt3A_36 = arith.cmpi slt, %add3A, %lt3A : i32
    %convert_element_type3A = arith.extui %lt3A_36 : i1 to i32
    %cond3A = arith.constant 0 : i32
    %cond3A_37 = arith.cmpi ne, %convert_element_type3A, %cond3A : i32
    scf.if %cond3A_37 {
      "tpu.region"() ({
        %run_scoped3A = tpu.sem_alloc : memref<!tpu.dma_semaphore, #tpu.memory_space<semaphore_mem>>
        %dma_start3A_43 = arith.constant 0 : i32
        %dma_start3A_44 = arith.constant 0 : i32
        %dma_start3A_45 = tpu.memref_slice %arg5[%dma_start3A_43, %dma_start3A_44] : memref<1024x128xf32, #tpu.memory_space<vmem_shared>> -> memref<1024x128xf32, #tpu.memory_space<vmem_shared>>
        tpu.enqueue_indirect_dma source(%arg7 : memref<128x128xf32, #tpu.memory_space<vmem>>) target(%dma_start3A_45 : memref<1024x128xf32, #tpu.memory_space<vmem_shared>>) offsets(%arg9 : memref<128xi32, #tpu.memory_space<vmem>>) semaphore(%run_scoped3A : memref<!tpu.dma_semaphore, #tpu.memory_space<semaphore_mem>>) {add = true}
        %dma_wait3A_46 = arith.constant 0 : i32
        %dma_wait3A_47 = arith.constant 0 : i32
        %dma_wait3A_48 = tpu.memref_slice %arg5[%dma_wait3A_46, %dma_wait3A_47] : memref<1024x128xf32, #tpu.memory_space<vmem_shared>> -> memref<1024x128xf32, #tpu.memory_space<vmem_shared>>
        tpu.wait_indirect_dma semaphore(%run_scoped3A : memref<!tpu.dma_semaphore, #tpu.memory_space<semaphore_mem>>) src(%arg7 : memref<128x128xf32, #tpu.memory_space<vmem>>) dst(%dma_wait3A_48 : memref<1024x128xf32, #tpu.memory_space<vmem_shared>>)
        tpu.yield
      }) : () -> ()
    } else {
    }
    %eq3A = arith.constant 31 : i32
    %eq3A_38 = arith.cmpi eq, %add3A, %eq3A : i32
    %convert_element_type3A_39 = arith.extui %eq3A_38 : i1 to i32
    %cond3A_40 = arith.constant 0 : i32
    %cond3A_41 = arith.cmpi ne, %convert_element_type3A_39, %cond3A_40 : i32
    scf.if %cond3A_41 {
      "tpu.region"() ({
        %run_scoped3A = tpu.sem_alloc : memref<!tpu.dma_semaphore, #tpu.memory_space<semaphore_mem>>
        %dma_start3A_43 = arith.constant 99968 : i32
        %dma_start3A_44 = arith.constant 0 : i32
        %dma_start3A_45 = tpu.memref_slice %arg2[%dma_start3A_43, %dma_start3A_44] : memref<100000x128xf32, #tpu.memory_space<hbm>> -> memref<32x128xf32, #tpu.memory_space<hbm>>
        %dma_start3A_46 = arith.constant 99968 : i32
        %dma_start3A_47 = arith.constant 0 : i32
        %dma_start3A_48 = tpu.memref_slice %arg2[%dma_start3A_46, %dma_start3A_47] : memref<100000x128xf32, #tpu.memory_space<hbm>> -> memref<32x128xf32, #tpu.memory_space<hbm>>
        tpu.enqueue_dma source(%dma_start3A_48 : memref<32x128xf32, #tpu.memory_space<hbm>>) target(%arg11 : memref<32x128xf32, #tpu.memory_space<vmem>>) target_semaphore(%run_scoped3A : memref<!tpu.dma_semaphore, #tpu.memory_space<semaphore_mem>>)
        %dma_wait3A_49 = arith.constant 99968 : i32
        %dma_wait3A_50 = arith.constant 0 : i32
        %dma_wait3A_51 = tpu.memref_slice %arg2[%dma_wait3A_49, %dma_wait3A_50] : memref<100000x128xf32, #tpu.memory_space<hbm>> -> memref<32x128xf32, #tpu.memory_space<hbm>>
        %dma_wait3A_52 = arith.constant 99968 : i32
        %dma_wait3A_53 = arith.constant 0 : i32
        %dma_wait3A_54 = tpu.memref_slice %arg2[%dma_wait3A_52, %dma_wait3A_53] : memref<100000x128xf32, #tpu.memory_space<hbm>> -> memref<32x128xf32, #tpu.memory_space<hbm>>
        tpu.wait_dma2 semaphore(%run_scoped3A : memref<!tpu.dma_semaphore, #tpu.memory_space<semaphore_mem>>) src(%dma_wait3A_54 : memref<32x128xf32, #tpu.memory_space<hbm>>) dst(%arg11 : memref<32x128xf32, #tpu.memory_space<vmem>>)
        tpu.yield
      }) : () -> ()
      "tpu.region"() ({
        %run_scoped3A = tpu.sem_alloc : memref<!tpu.dma_semaphore, #tpu.memory_space<semaphore_mem>>
        %dma_start3A_43 = arith.constant 99968 : i32
        %dma_start3A_44 = tpu.memref_slice %arg3[%dma_start3A_43] : memref<100000xi32, #tpu.memory_space<hbm>> -> memref<32xi32, #tpu.memory_space<hbm>>
        %dma_start3A_45 = arith.constant 99968 : i32
        %dma_start3A_46 = tpu.memref_slice %arg3[%dma_start3A_45] : memref<100000xi32, #tpu.memory_space<hbm>> -> memref<32xi32, #tpu.memory_space<hbm>>
        tpu.enqueue_dma source(%dma_start3A_46 : memref<32xi32, #tpu.memory_space<hbm>>) target(%arg12 : memref<32xi32, #tpu.memory_space<vmem>>) target_semaphore(%run_scoped3A : memref<!tpu.dma_semaphore, #tpu.memory_space<semaphore_mem>>)
        %dma_wait3A_47 = arith.constant 99968 : i32
        %dma_wait3A_48 = tpu.memref_slice %arg3[%dma_wait3A_47] : memref<100000xi32, #tpu.memory_space<hbm>> -> memref<32xi32, #tpu.memory_space<hbm>>
        %dma_wait3A_49 = arith.constant 99968 : i32
        %dma_wait3A_50 = tpu.memref_slice %arg3[%dma_wait3A_49] : memref<100000xi32, #tpu.memory_space<hbm>> -> memref<32xi32, #tpu.memory_space<hbm>>
        tpu.wait_dma2 semaphore(%run_scoped3A : memref<!tpu.dma_semaphore, #tpu.memory_space<semaphore_mem>>) src(%dma_wait3A_50 : memref<32xi32, #tpu.memory_space<hbm>>) dst(%arg12 : memref<32xi32, #tpu.memory_space<vmem>>)
        tpu.yield
      }) : () -> ()
      "tpu.region"() ({
        %run_scoped3A = tpu.sem_alloc : memref<!tpu.dma_semaphore, #tpu.memory_space<semaphore_mem>>
        %dma_start3A_43 = arith.constant 0 : i32
        %dma_start3A_44 = arith.constant 0 : i32
        %dma_start3A_45 = tpu.memref_slice %arg5[%dma_start3A_43, %dma_start3A_44] : memref<1024x128xf32, #tpu.memory_space<vmem_shared>> -> memref<1024x128xf32, #tpu.memory_space<vmem_shared>>
        tpu.enqueue_indirect_dma source(%arg11 : memref<32x128xf32, #tpu.memory_space<vmem>>) target(%dma_start3A_45 : memref<1024x128xf32, #tpu.memory_space<vmem_shared>>) offsets(%arg12 : memref<32xi32, #tpu.memory_space<vmem>>) semaphore(%run_scoped3A : memref<!tpu.dma_semaphore, #tpu.memory_space<semaphore_mem>>) {add = true}
        %dma_wait3A_46 = arith.constant 0 : i32
        %dma_wait3A_47 = arith.constant 0 : i32
        %dma_wait3A_48 = tpu.memref_slice %arg5[%dma_wait3A_46, %dma_wait3A_47] : memref<1024x128xf32, #tpu.memory_space<vmem_shared>> -> memref<1024x128xf32, #tpu.memory_space<vmem_shared>>
        tpu.wait_indirect_dma semaphore(%run_scoped3A : memref<!tpu.dma_semaphore, #tpu.memory_space<semaphore_mem>>) src(%arg11 : memref<32x128xf32, #tpu.memory_space<vmem>>) dst(%dma_wait3A_48 : memref<1024x128xf32, #tpu.memory_space<vmem_shared>>)
        tpu.yield
      }) : () -> ()
    } else {
    }
    %barrier3A_42 = arith.constant 0 : index
    tpu.barrier barrier_id(%barrier3A_42)
    "tpu.region"() ({
      %run_scoped3A = tpu.sem_alloc : memref<!tpu.dma_semaphore, #tpu.memory_space<semaphore_mem>>
      %dma_start3A_43 = arith.constant 0 : i32
      %dma_start3A_44 = tpu.memref_slice %arg5[%mul3A_2, %dma_start3A_43] : memref<1024x128xf32, #tpu.memory_space<vmem_shared>> -> memref<64x128xf32, #tpu.memory_space<vmem_shared>>
      %dma_start3A_45 = arith.constant 0 : i32
      %dma_start3A_46 = tpu.memref_slice %arg5[%mul3A_2, %dma_start3A_45] : memref<1024x128xf32, #tpu.memory_space<vmem_shared>> -> memref<64x128xf32, #tpu.memory_space<vmem_shared>>
      tpu.enqueue_dma source(%dma_start3A_46 : memref<64x128xf32, #tpu.memory_space<vmem_shared>>) target(%arg6 : memref<64x128xf32, #tpu.memory_space<vmem>>) target_semaphore(%run_scoped3A : memref<!tpu.dma_semaphore, #tpu.memory_space<semaphore_mem>>)
      %dma_wait3A_47 = arith.constant 0 : i32
      %dma_wait3A_48 = tpu.memref_slice %arg5[%mul3A_2, %dma_wait3A_47] : memref<1024x128xf32, #tpu.memory_space<vmem_shared>> -> memref<64x128xf32, #tpu.memory_space<vmem_shared>>
      %dma_wait3A_49 = arith.constant 0 : i32
      %dma_wait3A_50 = tpu.memref_slice %arg5[%mul3A_2, %dma_wait3A_49] : memref<1024x128xf32, #tpu.memory_space<vmem_shared>> -> memref<64x128xf32, #tpu.memory_space<vmem_shared>>
      tpu.wait_dma2 semaphore(%run_scoped3A : memref<!tpu.dma_semaphore, #tpu.memory_space<semaphore_mem>>) src(%dma_wait3A_50 : memref<64x128xf32, #tpu.memory_space<vmem_shared>>) dst(%arg6 : memref<64x128xf32, #tpu.memory_space<vmem>>)
      tpu.yield
    }) : () -> ()
    "tpu.region"() ({
      %run_scoped3A = tpu.sem_alloc : memref<!tpu.dma_semaphore, #tpu.memory_space<semaphore_mem>>
      %dma_start3A_43 = arith.constant 0 : i32
      %dma_start3A_44 = tpu.memref_slice %arg4[%arg0, %mul3A_2, %dma_start3A_43] : memref<2x1024x128xf32, #tpu.memory_space<hbm>> -> memref<1x64x128xf32, #tpu.memory_space<hbm>>
      %dma_start3A_45 = tpu.memref_squeeze %dma_start3A_44 : memref<1x64x128xf32, #tpu.memory_space<hbm>> -> memref<64x128xf32, #tpu.memory_space<hbm>>
      %dma_start3A_46 = arith.constant 0 : i32
      %dma_start3A_47 = tpu.memref_slice %arg4[%arg0, %mul3A_2, %dma_start3A_46] : memref<2x1024x128xf32, #tpu.memory_space<hbm>> -> memref<1x64x128xf32, #tpu.memory_space<hbm>>
      %dma_start3A_48 = tpu.memref_squeeze %dma_start3A_47 : memref<1x64x128xf32, #tpu.memory_space<hbm>> -> memref<64x128xf32, #tpu.memory_space<hbm>>
      tpu.enqueue_dma source(%arg6 : memref<64x128xf32, #tpu.memory_space<vmem>>) target(%dma_start3A_48 : memref<64x128xf32, #tpu.memory_space<hbm>>) target_semaphore(%run_scoped3A : memref<!tpu.dma_semaphore, #tpu.memory_space<semaphore_mem>>)
      %dma_wait3A_49 = arith.constant 0 : i32
      %dma_wait3A_50 = tpu.memref_slice %arg4[%arg0, %mul3A_2, %dma_wait3A_49] : memref<2x1024x128xf32, #tpu.memory_space<hbm>> -> memref<1x64x128xf32, #tpu.memory_space<hbm>>
      %dma_wait3A_51 = tpu.memref_squeeze %dma_wait3A_50 : memref<1x64x128xf32, #tpu.memory_space<hbm>> -> memref<64x128xf32, #tpu.memory_space<hbm>>
      %dma_wait3A_52 = arith.constant 0 : i32
      %dma_wait3A_53 = tpu.memref_slice %arg4[%arg0, %mul3A_2, %dma_wait3A_52] : memref<2x1024x128xf32, #tpu.memory_space<hbm>> -> memref<1x64x128xf32, #tpu.memory_space<hbm>>
      %dma_wait3A_54 = tpu.memref_squeeze %dma_wait3A_53 : memref<1x64x128xf32, #tpu.memory_space<hbm>> -> memref<64x128xf32, #tpu.memory_space<hbm>>
      tpu.wait_dma2 semaphore(%run_scoped3A : memref<!tpu.dma_semaphore, #tpu.memory_space<semaphore_mem>>) src(%arg6 : memref<64x128xf32, #tpu.memory_space<vmem>>) dst(%dma_wait3A_54 : memref<64x128xf32, #tpu.memory_space<hbm>>)
      tpu.yield
    }) : () -> ()
    return
  }
}

module attributes {stable_mosaic.version = 14 : i64} {
  func.func @_tc_body(%arg0: i32, %arg1: memref<4096x128xf32, #tpu.memory_space<vmem>>, %arg2: memref<1x1x4096xi32, #tpu.memory_space<vmem>>, %arg3: memref<1024x128xf32, #tpu.memory_space<vmem>>, %arg4: memref<1088x128xf32, #tpu.memory_space<vmem>>) attributes {dimension_semantics = [#tpu.dimension_semantics<arbitrary>], iteration_bounds = array<i64: 25>, scalar_prefetch = 0 : i64, scratch_operands = 1 : i64, tpu.core_type = #tpu.core_type<tc>, window_params = [{transform_indices = @transform_0, window_bounds = array<i64: 4096, 128>}, {transform_indices = @transform_1, window_bounds = array<i64: 1, 1, 4096>}, {pipeline_mode = #tpu.pipeline_mode<synchronous>, transform_indices = @transform_2, window_bounds = array<i64: 1024, 128>}]} {
    %eq3A = arith.constant 0 : i32
    %eq3A_0 = arith.cmpi eq, %arg0, %eq3A : i32
    %convert_element_type3A = arith.extui %eq3A_0 : i1 to i32
    %cond3A = arith.constant 0 : i32
    %cond3A_1 = arith.cmpi ne, %convert_element_type3A, %cond3A : i32
    scf.if %cond3A_1 {
      %broadcast_in_dim3A = arith.constant 0.000000e+00 : f32
      %broadcast_in_dim3A_34 = vector.broadcast %broadcast_in_dim3A : f32 to vector<1088x128xf32>
      %swap3A = arith.constant 0 : index
      %swap3A_35 = arith.constant 0 : index
      %swap3A_36 = vector.load %arg4[%swap3A, %swap3A_35] : memref<1088x128xf32, #tpu.memory_space<vmem>>, vector<1088x128xf32>
      tpu.vector_store %arg4[%swap3A, %swap3A_35], %broadcast_in_dim3A_34 {strides = array<i32>} : memref<1088x128xf32, #tpu.memory_space<vmem>>, vector<1088x128xf32>,
    } else {
    }
    %get3A = arith.constant 0 : index
    %get3A_2 = arith.constant 0 : index
    %get3A_3 = arith.constant 0 : index
    %get3A_4 = vector.load %arg2[%get3A, %get3A_2, %get3A_3] : memref<1x1x4096xi32, #tpu.memory_space<vmem>>, vector<1x1x4096xi32>
    %get3A_5 = vector.shape_cast %get3A_4 : vector<1x1x4096xi32> to vector<1x4096xi32>
    %get3A_6 = arith.constant 0 : index
    %get3A_7 = arith.constant 0 : index
    %get3A_8 = vector.load %arg1[%get3A_6, %get3A_7] : memref<4096x128xf32, #tpu.memory_space<vmem>>, vector<4096x128xf32>
    %reduce_min3A = vector.shape_cast %get3A_5 : vector<1x4096xi32> to vector<1x1x4096xi32>
    %reduce_min3A_9 = arith.constant dense<2147483647> : vector<1xi32>
    %reduce_min3A_10 = vector.multi_reduction <minsi>, %reduce_min3A, %reduce_min3A_9 [1, 2] : vector<1x1x4096xi32> to vector<1xi32>
    %reduce_min3A_11 = vector.shape_cast %reduce_min3A_10 : vector<1xi32> to vector<1x1x1xi32>
    %reduce_min3A_12 = vector.extract %reduce_min3A_11[0, 0, 0] : i32 from vector<1x1x1xi32>
    %jit3A = arith.constant 64 : i32
    %div3A = arith.divsi %reduce_min3A_12, %jit3A : i32
    %sign3A = arith.constant 0 : i32
    %sign3A_13 = arith.cmpi sgt, %reduce_min3A_12, %sign3A : i32
    %sign3A_14 = arith.extui %sign3A_13 : i1 to i32
    %sign3A_15 = arith.constant 0 : i32
    %sign3A_16 = arith.cmpi slt, %reduce_min3A_12, %sign3A_15 : i32
    %sign3A_17 = arith.extui %sign3A_16 : i1 to i32
    %sign3A_18 = arith.subi %sign3A_14, %sign3A_17 : i32
    %sign3A_19 = arith.constant 0 : i32
    %sign3A_20 = arith.cmpi sgt, %jit3A, %sign3A_19 : i32
    %sign3A_21 = arith.extui %sign3A_20 : i1 to i32
    %sign3A_22 = arith.constant 0 : i32
    %sign3A_23 = arith.cmpi slt, %jit3A, %sign3A_22 : i32
    %sign3A_24 = arith.extui %sign3A_23 : i1 to i32
    %sign3A_25 = arith.subi %sign3A_21, %sign3A_24 : i32
    %ne3A = arith.cmpi ne, %sign3A_18, %sign3A_25 : i32
    %rem3A = arith.remsi %reduce_min3A_12, %jit3A : i32
    %ne3A_26 = arith.constant 0 : i32
    %ne3A_27 = arith.cmpi ne, %rem3A, %ne3A_26 : i32
    %and3A = arith.andi %ne3A, %ne3A_27 : i1
    %sub3A = arith.constant 1 : i32
    %sub3A_28 = arith.subi %div3A, %sub3A : i32
    %select_n3A = arith.select %and3A, %sub3A_28, %div3A : i32
    %while3A = scf.while (%while3A_34 = %select_n3A) : (i32) -> i32 {
      %mul3A = arith.constant 64 : i32
      %mul3A_35 = arith.muli %while3A_34, %mul3A : i32
      %lt3A = arith.constant 1024 : i32
      %lt3A_36 = arith.cmpi slt, %mul3A_35, %lt3A : i32
      scf.condition(%lt3A_36) %while3A_34 : i32
    } do {
    ^bb0(%while3A_34: i32):
      %mul3A = arith.constant 64 : i32
      %mul3A_35 = arith.muli %while3A_34, %mul3A : i32
      %sub3A_36 = vector.broadcast %mul3A_35 : i32 to vector<1x4096xi32>
      %sub3A_37 = arith.subi %get3A_5, %sub3A_36 : vector<1x4096xi32>
      %iota3A = tpu.iota {dimensions = array<i32: 0>} : vector<64x4096xi32>
      %eq3A_38 = vector.broadcast %sub3A_37 : vector<1x4096xi32> to vector<64x4096xi32>
      %eq3A_39 = arith.cmpi eq, %eq3A_38, %iota3A : vector<64x4096xi32>
      %jit3A_40 = arith.constant 1.000000e+00 : f32
      %jit3A_41 = arith.constant 0.000000e+00 : f32
      %broadcast_in_dim3A = vector.broadcast %jit3A_40 : f32 to vector<64x4096xf32>
      %broadcast_in_dim3A_42 = vector.broadcast %jit3A_41 : f32 to vector<64x4096xf32>
      %select_n3A_43 = arith.select %eq3A_39, %broadcast_in_dim3A, %broadcast_in_dim3A_42 : vector<64x4096xi1>, vector<64x4096xf32>
      %dot_general3A = arith.constant dense<0.000000e+00> : vector<64x128xf32>
      %dot_general3A_44 = tpu.matmul %select_n3A_43, %get3A_8, %dot_general3A {dimension_numbers = #tpu.dot_dimension_numbers<[1], [0], [0], [1], [0, 0, 1, 1], [], []>, transpose_lhs_hint = false} : vector<64x4096xf32>, vector<4096x128xf32>, vector<64x128xf32> -> vector<64x128xf32>
      %get3A_45 = arith.index_cast %mul3A_35 : i32 to index
      %get3A_46 = arith.constant 0 : index
      %get3A_47 = vector.load %arg4[%get3A_45, %get3A_46] : memref<1088x128xf32, #tpu.memory_space<vmem>>, vector<64x128xf32>
      %add3A = arith.addf %get3A_47, %dot_general3A_44 : vector<64x128xf32>
      %swap3A = arith.index_cast %mul3A_35 : i32 to index
      %swap3A_48 = arith.constant 0 : index
      %swap3A_49 = vector.load %arg4[%swap3A, %swap3A_48] : memref<1088x128xf32, #tpu.memory_space<vmem>>, vector<64x128xf32>
      tpu.vector_store %arg4[%swap3A, %swap3A_48], %add3A {strides = array<i32>} : memref<1088x128xf32, #tpu.memory_space<vmem>>, vector<64x128xf32>,
      %add3A_50 = arith.constant 64 : i32
      %add3A_51 = arith.addi %mul3A_35, %add3A_50 : i32
      %ge3A = vector.broadcast %add3A_51 : i32 to vector<1x4096xi32>
      %ge3A_52 = arith.cmpi sge, %get3A_5, %ge3A : vector<1x4096xi32>
      %jit3A_53 = arith.constant 1073741824 : i32
      %broadcast_in_dim3A_54 = vector.broadcast %jit3A_53 : i32 to vector<1x4096xi32>
      %select_n3A_55 = arith.select %ge3A_52, %get3A_5, %broadcast_in_dim3A_54 : vector<1x4096xi1>, vector<1x4096xi32>
      %reduce_min3A_56 = vector.shape_cast %select_n3A_55 : vector<1x4096xi32> to vector<1x1x4096xi32>
      %reduce_min3A_57 = arith.constant dense<2147483647> : vector<1xi32>
      %reduce_min3A_58 = vector.multi_reduction <minsi>, %reduce_min3A_56, %reduce_min3A_57 [1, 2] : vector<1x1x4096xi32> to vector<1xi32>
      %reduce_min3A_59 = vector.shape_cast %reduce_min3A_58 : vector<1xi32> to vector<1x1x1xi32>
      %reduce_min3A_60 = vector.extract %reduce_min3A_59[0, 0, 0] : i32 from vector<1x1x1xi32>
      %jit3A_61 = arith.constant 64 : i32
      %div3A_62 = arith.divsi %reduce_min3A_60, %jit3A_61 : i32
      %sign3A_63 = arith.constant 0 : i32
      %sign3A_64 = arith.cmpi sgt, %reduce_min3A_60, %sign3A_63 : i32
      %sign3A_65 = arith.extui %sign3A_64 : i1 to i32
      %sign3A_66 = arith.constant 0 : i32
      %sign3A_67 = arith.cmpi slt, %reduce_min3A_60, %sign3A_66 : i32
      %sign3A_68 = arith.extui %sign3A_67 : i1 to i32
      %sign3A_69 = arith.subi %sign3A_65, %sign3A_68 : i32
      %sign3A_70 = arith.constant 0 : i32
      %sign3A_71 = arith.cmpi sgt, %jit3A_61, %sign3A_70 : i32
      %sign3A_72 = arith.extui %sign3A_71 : i1 to i32
      %sign3A_73 = arith.constant 0 : i32
      %sign3A_74 = arith.cmpi slt, %jit3A_61, %sign3A_73 : i32
      %sign3A_75 = arith.extui %sign3A_74 : i1 to i32
      %sign3A_76 = arith.subi %sign3A_72, %sign3A_75 : i32
      %ne3A_77 = arith.cmpi ne, %sign3A_69, %sign3A_76 : i32
      %rem3A_78 = arith.remsi %reduce_min3A_60, %jit3A_61 : i32
      %ne3A_79 = arith.constant 0 : i32
      %ne3A_80 = arith.cmpi ne, %rem3A_78, %ne3A_79 : i32
      %and3A_81 = arith.andi %ne3A_77, %ne3A_80 : i1
      %sub3A_82 = arith.constant 1 : i32
      %sub3A_83 = arith.subi %div3A_62, %sub3A_82 : i32
      %select_n3A_84 = arith.select %and3A_81, %sub3A_83, %div3A_62 : i32
      scf.yield %select_n3A_84 : i32
    }
    %eq3A_29 = arith.constant 24 : i32
    %eq3A_30 = arith.cmpi eq, %arg0, %eq3A_29 : i32
    %convert_element_type3A_31 = arith.extui %eq3A_30 : i1 to i32
    %cond3A_32 = arith.constant 0 : i32
    %cond3A_33 = arith.cmpi ne, %convert_element_type3A_31, %cond3A_32 : i32
    scf.if %cond3A_33 {
      %get3A_34 = arith.constant 0 : index
      %get3A_35 = arith.constant 0 : index
      %get3A_36 = vector.load %arg4[%get3A_34, %get3A_35] : memref<1088x128xf32, #tpu.memory_space<vmem>>, vector<1024x128xf32>
      %swap3A = arith.constant 0 : index
      %swap3A_37 = arith.constant 0 : index
      %swap3A_38 = vector.load %arg3[%swap3A, %swap3A_37] : memref<1024x128xf32, #tpu.memory_space<vmem>>, vector<1024x128xf32>
      tpu.vector_store %arg3[%swap3A, %swap3A_37], %get3A_36 {strides = array<i32>} : memref<1024x128xf32, #tpu.memory_space<vmem>>, vector<1024x128xf32>,
    } else {
    }
    return
  }
  func.func @transform_0(%arg0: i32) -> (i32, i32) {
    %c0_i32 = arith.constant 0 : i32
    %c0_i32_0 = arith.constant 0 : i32
    return %arg0, %c0_i32 : i32, i32
  }
  func.func @transform_1(%arg0: i32) -> (i32, i32, i32) {
    %c0_i32 = arith.constant 0 : i32
    %c0_i32_0 = arith.constant 0 : i32
    %c0_i32_1 = arith.constant 0 : i32
    return %arg0, %c0_i32, %c0_i32_0 : i32, i32, i32
  }
  func.func @transform_2(%arg0: i32) -> (i32, i32) {
    %c0_i32 = arith.constant 0 : i32
    %c0_i32_0 = arith.constant 0 : i32
    %c0_i32_1 = arith.constant 0 : i32
    return %c0_i32, %c0_i32_0 : i32, i32
  }
}

</mosaic_0001>

<sc_bundles>
// kernel: kernel.4.cloned.1.call-start
scs
__scs_entry_jumppad:
0x0: {  	(pc) =	sbr.rel $0x88, $3  }
0x1: {  	(tag) =	ssettag $0x0;
	lr =	simm.s32 $0x1  }
0x2: {  	[smem:$0x3F9C] =	sst lr;
	_ =	strace $0xD0000000  }
0x3: {  	_ = 	snop  }
0x4: {  	_ = 	snop  }
0x5: {  	_ = 	snop  }
0x6: {  	_ = 	snop  }
0x7: {  	_ = 	snop  }
__scs_overlays_trampoline_lowered:
0x8: {  	[smem:$0x3FAB] =	sst s0  }
0x9: {  	[smem:$0x3FAC] =	sst s1  }
0xa: {  	[smem:$0x3FAD] =	sst s2  }
0xb: {  	[smem:$0x3FAE] =	sst s3  }
0xc: {  	[smem:$0x3FAF] =	sst s4  }
0xd: {  	[smem:$0x3FB0] =	sst s5  }
0xe: {  	[smem:$0x3FB1] =	sst s6  }
0xf: {  	[smem:$0x3FB2] =	sst s7  }
0x10: {  	[smem:$0x3FB3] =	sst s8  }
0x11: {  	[smem:$0x3FB4] =	sst s9;
	s0 =	simm.s32 @!p0 $0x0  }
0x12: {  	s1 =	sld [smem:$0x3F9A];
	s0 =	simm.s32 @p0 $0x1  }
0x13: {  	[smem:$0x3FB5] =	sst s0;
	s0 =	simm.s32 @!p1 $0x0  }
0x14: {  	s2 =	sld [smem:$0x3F99];
	s0 =	simm.s32 @p1 $0x1  }
0x15: {  	[smem:$0x3FB6] =	sst s0;
	s0 =	simm.s32 @!p2 $0x0  }
0x16: {  	s3 =	sld [smem:$0x3FDB];
	s0 =	simm.s32 @p2 $0x1  }
0x17: {  	s4 =	simm.s32 $0x1BF5;
	[smem:$0x3FB8] =	sst s0  }
0x18: {  	s0 =	sld [smem:$0x3F9B];
	_ =	swait.ge [sflag:s4], $0x0  }
0x19: {  	s7 =	sld [smem:$0x3F9C]  }
0x1a: {  	s8 =	sadd.s32 $0xFFFFE003, lr  }
0x1b: {  	s9 =	sadd.s32 $0xFFFFFEF7, lr;
	s5 =	simm.s32 $0xFFFFFFFF;
	p2 =	slt.u32 s8, $0xFFFFF086  }
0x1c: {  	p1 =	slt.u32 s9, $0xF7A;
	s5 =	simm.s32 @!p2 $0x0  }
0x1d: {  	s5 =	simm.s32 @p1 $0x1;
	p0 =	seq.s32 s7, s2  }
0x1e: {  	s7 =	smul.u32 @!p0 $0xF7A, s2;
	p2 =	seq.s32 @!p0 s5, $0x0  }
0x1f: {  	s9 =	smul.u32 $0xF7A, s1;
	s8 =	simm.s32 @!p0 $0x1BF5;
	p2 =	por !p2, p0  }
0x20: {  	[sflag:s8] =	ssyncset.s32 @!p0 $0xFFFFF086;
	s6 =	sadd.s32 @!p0 s3, s7;
	s7 =	simm.s32 @!p0 $0x108  }
0x21: {  	s3 =	sadd.s32 s3, s9;
	s6 =	sadd.s32 @!p0 $0x88, s6;
	s7 =	simm.s32 @p2 $0x1082  }
0x22: {  	[simem:s7], [sflag:s8] =	dma.local @!p0 [hbm:s6], $0xF7A  }
0x23: {  	s9 =	sor.u32 $0xD0000000, s2;
	s6 =	simm.s32 $0x108;
	_ =	swait.ge @!p0 [sflag:s8], $0x0  }
0x24: {  	s3 =	sadd.s32 $0x88, s3;
	s6 =	simm.s32 @!p1 $0x1082;
	[sflag:s4] =	ssyncset.s32 $0xFFFFF086  }
0x25: {  	[simem:s6], [sflag:s4] =	dma.local [hbm:s3], $0xF7A  }
0x26: {  	[smem:$0x3F9C] =	sst s1;
	(tag) =	ssettag s2;
	_ =	strace s9  }
0x27: {  	s1 =	sld [smem:$0x3FAC]  }
0x28: {  	s2 =	sld [smem:$0x3FAD]  }
0x29: {  	s4 =	sld [smem:$0x3FAF]  }
0x2a: {  	p0 =	seq.s32 s5, $0x0;
	s5 =	sld [smem:$0x3FB0]  }
0x2b: {  	s6 =	sld [smem:$0x3FB1]  }
0x2c: {  	s7 =	sld [smem:$0x3FB2]  }
0x2d: {  	s3 =	simm.s32 $0x108;
	s8 =	sld [smem:$0x3FB3]  }
0x2e: {  	s3 =	simm.s32 @!p0 $0x1082;
	s9 =	sld [smem:$0x3FB4]  }
0x2f: {  	lr =	sadd.s32 s0, s3;
	s0 =	sld [smem:$0x3FAB]  }
0x30: {  	s3 =	sld [smem:$0x3FAE]  }
0x31: {  	[smem:$0x3FB7] =	sst s10  }
0x32: {  	s10 =	sld [smem:$0x3FB5];
	_ =	sdelay $0x3  }
0x33: {  	p0 =	seq.s32 s10, $0x1;
	s10 =	sld [smem:$0x3FB7];
	_ =	sdelay $0x3  }
0x34: {  	[smem:$0x3FB7] =	sst s10  }
0x35: {  	s10 =	sld [smem:$0x3FB6];
	_ =	sdelay $0x3  }
0x36: {  	p1 =	seq.s32 s10, $0x1;
	s10 =	sld [smem:$0x3FB7];
	_ =	sdelay $0x3  }
0x37: {  	[smem:$0x3FB7] =	sst s10  }
0x38: {  	s10 =	sld [smem:$0x3FB8]  }
0x39: {  	_ = 	snop;
	(pc) =	sbr.ind lr, $3  }
0x3a: {  	_ = 	snop  }
0x3b: {  	_ = 	snop  }
0x3c: {  	p2 =	seq.s32 s10, $0x1;
	s10 =	sld [smem:$0x3FB7]  }
0x3d: {  	_ =	shalt  }
0x3e: {  	_ =	shalt  }
0x3f: {  	_ =	shalt  }
0x40: {  	_ =	shalt  }
0x41: {  	_ =	shalt  }
0x42: {  	_ =	shalt  }
0x43: {  	_ =	shalt  }
0x44: {  	_ =	shalt  }
0x45: {  	_ =	shalt  }
0x46: {  	_ =	shalt  }
0x47: {  	_ =	shalt  }
0x48: {  	_ =	shalt  }
0x49: {  	_ =	shalt  }
0x4a: {  	_ =	shalt  }
0x4b: {  	_ =	shalt  }
0x4c: {  	_ =	shalt  }
0x4d: {  	_ =	shalt  }
0x4e: {  	_ =	shalt  }
0x4f: {  	_ =	shalt  }
0x50: {  	_ =	shalt  }
0x51: {  	_ =	shalt  }
0x52: {  	_ =	shalt  }
0x53: {  	_ =	shalt  }
0x54: {  	_ =	shalt  }
0x55: {  	_ =	shalt  }
0x56: {  	_ =	shalt  }
0x57: {  	_ =	shalt  }
0x58: {  	_ =	shalt  }
0x59: {  	_ =	shalt  }
0x5a: {  	_ =	shalt  }
0x5b: {  	_ =	shalt  }
0x5c: {  	_ =	shalt  }
0x5d: {  	_ =	shalt  }
0x5e: {  	_ =	shalt  }
0x5f: {  	_ =	shalt  }
0x60: {  	_ =	shalt  }
0x61: {  	_ =	shalt  }
0x62: {  	_ =	shalt  }
0x63: {  	_ =	shalt  }
0x64: {  	_ =	shalt  }
0x65: {  	_ =	shalt  }
0x66: {  	_ =	shalt  }
0x67: {  	_ =	shalt  }
0x68: {  	_ =	shalt  }
0x69: {  	_ =	shalt  }
0x6a: {  	_ =	shalt  }
0x6b: {  	_ =	shalt  }
0x6c: {  	_ =	shalt  }
0x6d: {  	_ =	shalt  }
0x6e: {  	_ =	shalt  }
0x6f: {  	_ =	shalt  }
0x70: {  	_ =	shalt  }
0x71: {  	_ =	shalt  }
0x72: {  	_ =	shalt  }
0x73: {  	_ =	shalt  }
0x74: {  	_ =	shalt  }
0x75: {  	_ =	shalt  }
0x76: {  	_ =	shalt  }
0x77: {  	_ =	shalt  }
0x78: {  	_ =	shalt  }
0x79: {  	_ =	shalt  }
0x7a: {  	_ =	shalt  }
0x7b: {  	_ =	shalt  }
0x7c: {  	_ =	shalt  }
0x7d: {  	_ =	shalt  }
0x7e: {  	_ =	shalt  }
0x7f: {  	_ =	shalt  }
0x80: {  	_ =	shalt  }
0x81: {  	_ =	shalt  }
0x82: {  	_ =	shalt  }
0x83: {  	_ =	shalt  }
0x84: {  	_ =	shalt  }
0x85: {  	_ =	shalt  }
0x86: {  	_ =	shalt  }
0x87: {  	_ =	shalt  }
.Lfunc_end0:
.L_simem_size_0:
called_computation_lowered:
.L_overlay_start_0:
0x88: {  	s2 =	sld [smem:$0x3FD9]  }
0x89: {  	s3 =	sld [smem:$0x3FFE];
	_ =	sdelay $0x1  }
0x8a: {  	s1 =	srdreg.scid  }
0x8b: {  	s0 =	sand.u32 $0x1, s1  }
0x8c: {  	s18 =	sshll.u32 s0, $0xA;
	s2 =	sadd.s32 s3, s2  }
0x8d: {  	s2 =	sadd.s32 s2, s18  }
0x8e: {  	[smem:$0x3FC3] =	sst s2  }
0x8f: {  	_ = 	snop  }
0x90: {  	s2 =	sld [smem:$0x3FC8]  }
0x91: {  	s19 =	sld [smem:$0x3FC5]  }
0x92: {  	s4 =	sld [smem:$0x3FD0];
	(tm) =	ssettm $0x1  }
0x93: {  	s5 =	sld [smem:$0x3FFB];
	_ =	sdelay $0x3  }
0x94: {  	_ =	strace s5  }
0x95: {  	s5 =	sld [smem:$0x3FFC];
	_ =	sdelay $0x3  }
0x96: {  	_ =	strace s5  }
0x97: {  	s5 =	sld [smem:$0x3FFD];
	_ =	sdelay $0x3  }
0x98: {  	_ =	strace s5  }
0x99: {  	_ =	strace $0x8FFFFFFF  }
0x9a: {  	s20 =	sld [smem:$0x3FDB];
	_ =	sdelay $0x1  }
0x9b: {  	s6 =	simm.s32 $_scs_section_size  }
0x9c: {  	s7 =	simm.s32 $_size__tile_overlayer_lowered;
	s8 =	simm.s32 $_tile_overlayer_lowered  }
0x9d: {  	s23 =	simm.s32 $0x1BFF;
	s22 =	sshll.u32 s8, $0x1;
	s5 =	sadd.s32 s6, s20  }
0x9e: {  	s9 =	simm.s32 $0x0;
	s21 =	sshll.u32 s7, $0x1;
	s7 =	sadd.s32 s22, s5  }
0x9f: {  	[timem:s9], [sflag:s23] =	dma.local [hbm:s7], s21  }
0xa0: {  	_ =	swait.ge [sflag:s23], s21  }
0xa1: {  	s6 =	ssub.s32 $0x0, s21;
	[sflag:s23] =	ssyncset.done $0x0  }
0xa2: {  	[sflag:s23] =	ssyncadd.s32 s6;
	_ =	sdelay $0x1  }
0xa3: {  	s24 =	simm.s32 $0x1B8B  }
0xa4: {  	_ =	swait.ge [sflag:s24], $0x1  }
0xa5: {  	[sflag:s24] =	ssyncset.done $0x0  }
0xa6: {  	s25 =	simm.s32 $0x1B8E;
	[sflag:s24] =	ssyncadd.s32 $0xFFFFFFFF  }
0xa7: {  	s26 =	simm.s32 $execute0_lowered;
	[smem:$0x3FD2] =	sst s25  }
0xa8: {  	s6 =	sshll.u32 s26, $0x1;
	_ =	strace $0x80000046;
	[dreg:$0x1] =	wrdreg $0xFFFFFFFF  }
0xa9: {  	s28 =	simm.s32 $_size_execute0_lowered;
	s5 =	sadd.s32 s5, s6;
	[dreg:$0x0] =	wrdreg $0x0  }
0xaa: {  	s6 =	sshll.u32 s28, $0x1;
	[dreg:$0x2] =	wrdreg s5  }
0xab: {  	[dreg:$0x3] =	wrdreg s6  }
0xac: {  	[dreg:$0x4] =	wrdreg $0xC0  }
0xad: {  	_ =	task [dreg:s9], $0x5FFFF  }
0xae: {  	[dreg:$0x1] =	wrdreg $0xFFFFFFFF  }
0xaf: {  	[dreg:$0x0] =	wrdreg $0x60  }
0xb0: {  	[dreg:$0x2] =	wrdreg s2  }
0xb1: {  	[dreg:$0x3] =	wrdreg s19  }
0xb2: {  	[dreg:$0x4] =	wrdreg s4  }
0xb3: {  	[dreg:$0x5] =	wrdreg $0x0  }
0xb4: {  	[dreg:$0x6] =	wrdreg $0x9  }
0xb5: {  	_ =	task.clear_ibuf [dreg:s9], $0x7FFFF;
	_ =	strace $0x90000046  }
0xb6: {  	s29 =	simm.s32 $0x9;
	_ =	strace $0x80000048  }
0xb7: {  	_ =	swait.ge [sflag:s29], $0x1  }
0xb8: {  	[sflag:s29] =	ssyncadd.s32 $0xFFFFFFFF  }
0xb9: {  	_ =	strace $0x90000048  }
0xba: {  	_ =	sfence  }
0xbb: {  	s30 =	sld [smem:$0x0];
	_ =	sdelay $0x2  }
0xbc: {  	s31 =	sshll.u32 s1, $0xD;
	s1 =	sshrl.u32 s1, $0x2  }
0xbd: {  	s3 =	sand.u32 $0x4000, s31;
	s1 =	sadd.s32 s1, s30  }
0xbe: {  	s0 =	sor.u32 s3, s0;
	s1 =	sshll.u32 s1, $0x11  }
0xbf: {  	s0 =	sor.u32 s1, s0  }
0xc0: {  	s0 =	sadd.s32 $0x8F2B, s0  }
0xc1: {  	[sflag:s0] =	ssyncadd.remote.s32 $0x1  }
0xc2: {  	_ =	sfence.sel $0xFFFF  }
0xc3: {  	[dreg:$0x0] =	wrdreg $0xFFFFFFFF;
	(pc) =	sbr.abs _section_cstart, $3  }
0xc4: {  	[dreg:$0x1] =	wrdreg $0xFFFFFFFF  }
0xc5: {  	_ =	task.clear_ibuf [dreg:s9], $0x2FFFF;
	_ =	strace $0x9FFFFFFF  }
0xc6: {  	(tm) =	ssettm $0x7FFFFFFF  }
0xc7: {  	_ =	shalt  }
tec
execute0_lowered:
.L_overlay_start_1:
0x0: {  	(tag) =	ssettag $0x1  }
0x1: {  	s1 =	rddreg [dreg:$0x0]  }
0x2: {  	s2 =	rddreg [dreg:$0x1]  }
0x3: {  	s11 =	rddreg [dreg:$0x2]  }
0x4: {  	s3 =	rddreg [dreg:$0x3]  }
0x5: {  	s4 =	simm.s32 $0x0;
	s5 =	srdreg.scid;
	s0 =	stileid.u32  }
0x6: {  	s18 =	simm.s32 $0x4000;
	s19 =	simm.s32 $0xC000;
	s20 =	simm.s32 $0x8000  }
0x7: {  	s21 =	simm.s32 $0xC080;
	s22 =	simm.s32 $0x1;
	s23 =	simm.s32 $0x3  }
0x8: {  	s28 =	simm.s32 $0x0;
	[smem:$0x7FF] =	sst s4;
	s12 =	sand.u32 $0x1, s5  }
0x9: {  	s24 =	sshll.u32 s0, $0xD;
	s9 =	sadd.s32 $0x186800, s1;
	s10 =	sadd.s32 $0x30D0, s2  }
0xa: {  	s15 =	sshll.u32 s0, $0xA;
	s16 =	sshll.u32 s0, $0x7;
	s17 =	sshll.u32 s0, $0xB  }
0xb: {  	_ =	strace $0x80000047;
	s6 =	ssub.s32 $0x2, s12;
	s8 =	sshll.u32 s12, $0x4  }
0xc: {  	s14 =	sshll.u32 s12, $0xE;
	s11 =	sadd.s32 s11, s15;
	s29 =	sshll.u32 s12, $0xB  }
0xd: {  	s12 =	sshll.u32 s12, $0xF;
	s7 =	sshrl.u32 s6, $0x1;
	s25 =	sor.u32 s0, s8  }
0xe: {  	s11 =	sadd.s32 s14, s11;
	s30 =	sor.u32 s16, s29;
	s31 =	sadd.s32 s12, s1  }
0xf: {  	s13 =	ssub.s32 s6, s7;
	s6 =	sadd.s32 s24, s3;
	s26 =	sshll.u32 s25, $0xB  }
0x10: {  	s8 =	sshll.u32 s25, $0x4;
	s15 =	sor.u32 $0x1000, s30;
	s16 =	sadd.s32 s17, s31  }
0x11: {  	s17 =	simm.s32 $0x5;
	p0 =	sgt.u32 s25, $0xC;
	s24 =	simm.s32 $0x80  }
0x12: {  	s7 =	sadd.s32 s1, s26;
	s8 =	sadd.s32 s2, s8;
	s12 =	smax.u32 s13, $0x1  }
0x13: {  	s15 =	sshrl.u32 s15, $0x3;
	s13 =	sor.u32 $0x2000, s30;
	p1 =	sne.s32 @p0 s25, $0x1F  }
0x14: {  	s25 =	simm.s32 $0x2;
	s26 =	simm.s32 $0x4;
	s14 =	sadd.s32 s15, s2  }
0x15: {  	v0 =	vimm.f32 $0.0e+00;
	s15 =	sadd.s32 $0x10000, s16;
	s16 =	simm.s32 $0x2000;
	p1 =	por p1, !p0  }
.LBB2_1:
0x16: {  	s29 =	simm.s32 $0x0;
	s30 =	simm.s32 $0x200  }
.LBB2_2:
0x17: {  	p2 =	sne.s32 s30, $0x7E00;
	[tilespmem:s29+$0x2070] =	vst v0  }
0x18: {  	[tilespmem:s29+$0x2000] =	vst v0  }
0x19: {  	[tilespmem:s29+$0x2010] =	vst v0  }
.Ltmp0:
0x1a: {  	[tilespmem:s29+$0x2020] =	vst v0;
	(pc) =	sbr.rel @p2 .LBB2_2-.Ltmp0, $4  }
0x1b: {  	[tilespmem:s29+$0x2030] =	vst v0  }
0x1c: {  	[tilespmem:s29+$0x2040] =	vst v0  }
0x1d: {  	[tilespmem:s29+$0x2050] =	vst v0  }
0x1e: {  	[tilespmem:s29+$0x2060] =	vst v0;
	s29 =	sshra.s32 s30, $0x2;
	s30 =	sadd.s32 $0x200, s30  }
0x1f: {  	[tilespmem:s29+$0x2070] =	vst v0  }
0x20: {  	[tilespmem:s29+$0x2000] =	vst v0  }
0x21: {  	[tilespmem:s29+$0x2010] =	vst v0  }
0x22: {  	[tilespmem:s29+$0x2020] =	vst v0  }
0x23: {  	[tilespmem:s29+$0x2030] =	vst v0  }
0x24: {  	[tilespmem:s29+$0x2040] =	vst v0  }
0x25: {  	[tilespmem:s29+$0x2050] =	vst v0  }
0x26: {  	[tilespmem:s29+$0x2060] =	vst v0  }
0x27: {  	[spmem:s6] =	stream.linear.scatter [tilespmem:s16], [sflag:$0x5], $0x2000, $0x38;
	[tilespmem:$0xD180] =	vst v63  }
0x28: {  	_ =	swait.ge [sflag:s17], $0x2000  }
0x29: {  	[sflag:s17] =	ssyncset.done $0x0  }
0x2a: {  	[sflag:s17] =	ssyncadd.s32 $0xFFFFE000  }
0x2b: {  	s29 =	simm.s32 $0x0;
	[bflag:$0x0] =	sbarrier.arrive $0xFFFF  }
0x2c: {  	[tilespmem:s18], [sflag:$0x1] =	stream.linear.gather [hbm4b:s7+s29], $0x4000, $0x38;
	[tilespmem:$0xD180] =	vst v63  }
0x2d: {  	_ = 	snop  }
0x2e: {  	[tilespmem:s19], [sflag:$0x3] =	stream.linear.gather [hbm4b:s8+s29], $0x80, $0x38;
	[tilespmem:$0xD180] =	vst v63  }
0x2f: {  	_ = 	snop  }
0x30: {  	[tilespmem:s20], [sflag:$0x2] =	stream.linear.gather [hbm4b:s15+s4], $0x4000, $0x38;
	[tilespmem:$0xD180] =	vst v63  }
0x31: {  	s29 =	sadd.s32 $0x0, s14  }
0x32: {  	[tilespmem:s21], [sflag:$0x4] =	stream.linear.gather [hbm4b:s29+s4], $0x80, $0x38;
	[tilespmem:$0xD180] =	vst v63  }
0x33: {  	_ =	swait.ge [sflag:s22], $0x4000  }
0x34: {  	[sflag:s22] =	ssyncset.done $0x0  }
0x35: {  	[sflag:s22] =	ssyncadd.s32 $0xFFFFC000  }
0x36: {  	_ =	swait.ge [sflag:s23], $0x80  }
0x37: {  	[sflag:s23] =	ssyncset.done $0x0  }
0x38: {  	p2 =	slt.s32 s13, $0x18600;
	s29 =	smov.u32 s13;
	[sflag:s23] =	ssyncadd.s32 $0xFFFFFF80  }
0x39: {  	[spmem:s3] =	stream.indirect.scatter.add.f32 [tilespmem:s18], [sflag:$0x5], $0x80, s19, s24, $0xb8;
	[tilespmem:$0xD180] =	vst v63  }
0x3a: {  	s29 =	simm.s32 @!p2 $0x18600;
	_ =	swait.ge [sflag:s17], $0x4000  }
0x3b: {  	s30 =	sshll.u32 s29, $0x4;
	[sflag:s17] =	ssyncset.done $0x0  }
0x3c: {  	s29 =	sshrl.u32 s29, $0x3;
	s30 =	sadd.s32 s1, s30;
	[sflag:s17] =	ssyncadd.s32 $0xFFFFC000  }
0x3d: {  	[tilespmem:s18], [sflag:$0x1] =	stream.linear.gather [hbm4b:s30+s4], $0x4000, $0x38;
	[tilespmem:$0xD180] =	vst v63  }
0x3e: {  	s29 =	sadd.s32 s2, s29  }
0x3f: {  	[tilespmem:s19], [sflag:$0x3] =	stream.linear.gather [hbm4b:s29+s4], $0x80, $0x38;
	[tilespmem:$0xD180] =	vst v63  }
0x40: {  	_ =	swait.ge [sflag:s25], $0x4000  }
0x41: {  	[sflag:s25] =	ssyncset.done $0x0  }
0x42: {  	[sflag:s25] =	ssyncadd.s32 $0xFFFFC000  }
0x43: {  	_ =	swait.ge [sflag:s26], $0x80  }
0x44: {  	[sflag:s26] =	ssyncset.done $0x0  }
0x45: {  	[sflag:s26] =	ssyncadd.s32 $0xFFFFFF80  }
0x46: {  	[spmem:s3] =	stream.indirect.scatter.add.f32 [tilespmem:s20], [sflag:$0x5], $0x80, s21, s24, $0xb8;
	[tilespmem:$0xD180] =	vst v63  }
0x47: {  	s31 =	smov.u32 s15;
	_ =	swait.ge [sflag:s17], $0x4000  }
0x48: {  	s30 =	smov.u32 s13;
	s29 =	simm.s32 $0x400;
	[sflag:s17] =	ssyncset.done $0x0  }
.LBB2_4:
0x49: {  	[sflag:s17] =	ssyncadd.s32 $0xFFFFC000;
	s30 =	sadd.s32 $0x2000, s30;
	s31 =	sadd.s32 $0x20000, s31  }
0x4a: {  	[tilespmem:s20], [sflag:$0x2] =	stream.linear.gather [hbm4b:s31+s4], $0x4000, $0x38;
	[tilespmem:$0xD180] =	vst v63  }
0x4b: {  	s0 =	sadd.s32 s29, s14;
	p2 =	sne.s32 s29, $0x2C00;
	s29 =	sadd.s32 $0x400, s29  }
0x4c: {  	[tilespmem:s21], [sflag:$0x4] =	stream.linear.gather [hbm4b:s0+s4], $0x80, $0x38;
	[tilespmem:$0xD180] =	vst v63  }
0x4d: {  	_ =	swait.ge [sflag:s22], $0x4000  }
0x4e: {  	[sflag:s22] =	ssyncset.done $0x0  }
0x4f: {  	[sflag:s22] =	ssyncadd.s32 $0xFFFFC000  }
0x50: {  	_ =	swait.ge [sflag:s23], $0x80  }
0x51: {  	[sflag:s23] =	ssyncset.done $0x0  }
0x52: {  	p3 =	slt.s32 s30, $0x18600;
	s0 =	smov.u32 s30;
	[sflag:s23] =	ssyncadd.s32 $0xFFFFFF80  }
0x53: {  	[spmem:s3] =	stream.indirect.scatter.add.f32 [tilespmem:s18], [sflag:$0x5], $0x80, s19, s24, $0xb8;
	[tilespmem:$0xD180] =	vst v63  }
0x54: {  	s0 =	simm.s32 @!p3 $0x18600;
	_ =	swait.ge [sflag:s17], $0x4000  }
0x55: {  	s5 =	sshll.u32 s0, $0x4;
	s0 =	sshrl.u32 s0, $0x3;
	[sflag:s17] =	ssyncset.done $0x0  }
0x56: {  	s5 =	sadd.s32 s1, s5;
	[sflag:s17] =	ssyncadd.s32 $0xFFFFC000  }
0x57: {  	[tilespmem:s18], [sflag:$0x1] =	stream.linear.gather [hbm4b:s5+s4], $0x4000, $0x38;
	[tilespmem:$0xD180] =	vst v63  }
0x58: {  	s0 =	sadd.s32 s2, s0  }
0x59: {  	[tilespmem:s19], [sflag:$0x3] =	stream.linear.gather [hbm4b:s0+s4], $0x80, $0x38;
	[tilespmem:$0xD180] =	vst v63  }
0x5a: {  	_ =	swait.ge [sflag:s25], $0x4000  }
0x5b: {  	[sflag:s25] =	ssyncset.done $0x0  }
0x5c: {  	[sflag:s25] =	ssyncadd.s32 $0xFFFFC000  }
0x5d: {  	_ =	swait.ge [sflag:s26], $0x80  }
.Ltmp1:
0x5e: {  	[sflag:s26] =	ssyncset.done $0x0;
	(pc) =	sbr.rel @p2 .LBB2_4-.Ltmp1, $4  }
0x5f: {  	[sflag:s26] =	ssyncadd.s32 $0xFFFFFF80  }
0x60: {  	[spmem:s3] =	stream.indirect.scatter.add.f32 [tilespmem:s20], [sflag:$0x5], $0x80, s21, s24, $0xb8;
	[tilespmem:$0xD180] =	vst v63  }
0x61: {  	_ =	swait.ge [sflag:s17], $0x4000  }
0x62: {  	[sflag:s17] =	ssyncset.done $0x0  }
0x63: {  	[sflag:s17] =	ssyncadd.s32 $0xFFFFC000  }
0x64: {  	_ =	swait.ge [sflag:s22], $0x4000  }
0x65: {  	[sflag:s22] =	ssyncset.done $0x0  }
0x66: {  	[sflag:s22] =	ssyncadd.s32 $0xFFFFC000  }
0x67: {  	_ =	swait.ge [sflag:s23], $0x80  }
0x68: {  	s0 =	simm.s32 @!p1 $0x0;
	[sflag:s23] =	ssyncset.done $0x0  }
0x69: {  	s5 =	simm.s32 @!p1 $0xC100;
	s29 =	simm.s32 @!p1 $0x5;
	[sflag:s23] =	ssyncadd.s32 $0xFFFFFF80  }
0x6a: {  	[tilespmem:s5], [sflag:$0x5] =	stream.linear.gather @!p1 [hbm4b:s9+s0], $0x1000, $0x38;
	[tilespmem:$0xD180] =	vst v63  }
0x6b: {  	_ =	swait.ge @!p1 [sflag:s29], $0x1000  }
0x6c: {  	[sflag:s29] =	ssyncset.done @!p1 $0x0  }
0x6d: {  	s30 =	simm.s32 @!p1 $0xD100;
	[sflag:s29] =	ssyncadd.s32 @!p1 $0xFFFFF000  }
0x6e: {  	[tilespmem:s30], [sflag:$0x5] =	stream.linear.gather @!p1 [hbm4b:s10+s0], $0x20, $0x38;
	[tilespmem:$0xD180] =	vst v63  }
0x6f: {  	_ =	swait.ge @!p1 [sflag:s29], $0x20  }
0x70: {  	[sflag:s29] =	ssyncset.done @!p1 $0x0  }
0x71: {  	s0 =	simm.s32 @!p1 $0x20;
	[sflag:s29] =	ssyncadd.s32 @!p1 $0xFFFFFFE0  }
0x72: {  	[spmem:s3] =	stream.indirect.scatter.add.f32 @!p1 [tilespmem:s5], [sflag:$0x5], $0x80, s30, s0, $0xb8;
	[tilespmem:$0xD180] =	vst v63  }
0x73: {  	_ =	swait.ge @!p1 [sflag:s29], $0x1000  }
0x74: {  	s0 =	simm.s32 @!p0 $0x80;
	[sflag:s29] =	ssyncset.done @!p1 $0x0  }
0x75: {  	s5 =	simm.s32 @!p0 $0xC000;
	[sflag:s29] =	ssyncadd.s32 @!p1 $0xFFFFF000;
	s29 =	simm.s32 @!p0 $0x4000  }
0x76: {  	[spmem:s3] =	stream.indirect.scatter.add.f32 @!p0 [tilespmem:s29], [sflag:$0x5], $0x80, s5, s0, $0xb8;
	[tilespmem:$0xD180] =	vst v63  }
0x77: {  	s0 =	simm.s32 @!p0 $0x5  }
0x78: {  	_ =	swait.ge @!p0 [sflag:s0], $0x4000  }
0x79: {  	[sflag:s0] =	ssyncset.done @!p0 $0x0  }
0x7a: {  	[sflag:s0] =	ssyncadd.s32 @!p0 $0xFFFFC000  }
0x7b: {  	[bflag:$0x0] =	sbarrier.arrive $0xFFFF  }
0x7c: {  	[tilespmem:s16], [sflag:$0x5] =	stream.linear.gather [spmem:s6], $0x2000, $0x38;
	[tilespmem:$0xD180] =	vst v63  }
0x7d: {  	s28 =	sadd.s32 $0x1, s28;
	_ =	swait.ge [sflag:s17], $0x2000  }
0x7e: {  	p2 =	sne.s32 s28, s12;
	[sflag:s17] =	ssyncset.done $0x0  }
.Ltmp2:
0x7f: {  	[sflag:s17] =	ssyncadd.s32 $0xFFFFE000;
	(pc) =	sbr.rel @p2 .LBB2_1-.Ltmp2, $4  }
0x80: {  	[hbm4b:s11+s4] =	stream.linear.scatter [tilespmem:s16], [sflag:$0x5], $0x2000, $0x38;
	[tilespmem:$0xD180] =	vst v63  }
0x81: {  	_ =	swait.ge [sflag:s17], $0x2000  }
0x82: {  	[sflag:s17] =	ssyncset.done $0x0  }
0x83: {  	[sflag:s17] =	ssyncadd.s32 $0xFFFFE000  }
0x84: {  	_ =	sfence.sel $0x180000  }
0x85: {  	[bflag:$0x0] =	sbarrier.arrive $0xFFFF  }
0x86: {  	_ =	strace $0x90000047  }
0x87: {  	s0 =	stileid.u32;
	[bflag:$0x2] =	sbarrier.arrive $0xFFFF  }
0x88: {  	p0 =	sne.s32 s0, $0x0;
	s0 =	rddreg [dreg:$0x4]  }
0x89: {  	s0 =	sadd.s32 @!p0 $0x100000, s0  }
0x8a: {  	[sflag:s0] =	ssyncadd.tile.s32 @!p0 $0x1;
	_ =	shalt  }
.Lfunc_end2:
_tile_overlayer_lowered:
.L_overlay_start_2:
0x8b: {  	(tag) =	ssettag $0x2  }
0x8c: {  	s0 =	rddreg [dreg:$0x0];
	s2 =	stileid.u32  }
0x8d: {  	s1 =	rddreg [dreg:$0x1];
	p0 =	sne.s32 s2, $0x0  }
0x8e: {  	s3 =	rddreg [dreg:$0x2];
	[bflag:$0x3] =	sbarrier.arrive $0xFFFF;
	s2 =	simm.s32 @!p0 $0x1C05  }
0x8f: {  	[timem:s3], [sflag:s2] =	dma.local @!p0 [hbm:s0], s1  }
0x90: {  	s0 =	simm.s32 @!p0 $0x5  }
0x91: {  	_ =	swait.ge @!p0 [sflag:s0], s1  }
0x92: {  	s1 =	ssub.s32 @!p0 $0x0, s1;
	[sflag:s0] =	ssyncset.done @!p0 $0x0  }
0x93: {  	[sflag:s0] =	ssyncadd.s32 @!p0 s1  }
0x94: {  	[bflag:$0x3] =	sbarrier.arrive $0xFFFF  }
0x95: {  	_ =	shalt  }

</sc_bundles>
